<compile_context>
chip_gen: v7x
topology: tpu7x:2x2x1
jax: 0.10.2.dev20260603
libtpu: 0.0.44.dev20260713+nightly
codegen_flags: <defaults>
</compile_context>

<pallas_src>
import functools

import jax
import jax.numpy as jnp
from jax import lax
from jax.experimental import pallas as pl
from jax.experimental.pallas import tpu as pltpu
from jax.experimental.pallas import tpu_sc as plsc

NUM_USERS = 100000
NUM_MATCHES = 100000
LATENT_DIM = 64
BATCH = 16384

NC = 2
NS = 16
NW = NC * NS
B_PER_W = BATCH // NW
CHUNK = 128
NCHUNK = B_PER_W // CHUNK
ID_ROWS = BATCH // CHUNK
ROWS_PER_W = ID_ROWS // NW


@functools.partial(
    pl.kernel,
    out_type=jax.ShapeDtypeStruct((BATCH,), jnp.float32),
    mesh=plsc.VectorSubcoreMesh(core_axis_name="c", subcore_axis_name="s"),
    scratch_types=[
        pltpu.VMEM((ROWS_PER_W, CHUNK), jnp.int32),
        pltpu.VMEM((ROWS_PER_W, CHUNK), jnp.int32),
        pltpu.VMEM((B_PER_W, LATENT_DIM), jnp.float32),
        pltpu.VMEM((B_PER_W, LATENT_DIM), jnp.float32),
        pltpu.VMEM((B_PER_W,), jnp.float32),
        pltpu.SemaphoreType.DMA,
    ],
    compiler_params=pltpu.CompilerParams(
        needs_layout_passes=False, use_tc_tiling_on_sc=False),
)
def _cf_sc(uid_hbm, mid_hbm, uemb_hbm, memb_hbm,
           out_hbm, uid_v, mid_v, urows_v, mrows_v, out_v, sem):
    wid = lax.axis_index("s") * NC + lax.axis_index("c")
    base = wid * B_PER_W

    pltpu.sync_copy(uid_hbm.at[pl.ds(wid * ROWS_PER_W, ROWS_PER_W)], uid_v)
    pltpu.sync_copy(mid_hbm.at[pl.ds(wid * ROWS_PER_W, ROWS_PER_W)], mid_v)

    copies = []
    for k in range(NCHUNK):
        dst = pl.ds(k * CHUNK, CHUNK)
        copies.append(pltpu.async_copy(uemb_hbm.at[uid_v.at[k]],
                                       urows_v.at[dst], sem))
        copies.append(pltpu.async_copy(memb_hbm.at[mid_v.at[k]],
                                       mrows_v.at[dst], sem))
    for c in copies:
        c.wait()

    lane = lax.iota(jnp.int32, 16)

    def group_body(g, _):
        gbase = pl.multiple_of(g * 16, 16)

        def row_body(i, acc):
            r = gbase + i
            p = urows_v[r, pl.ds(0, 16)] * mrows_v[r, pl.ds(0, 16)]
            for c in range(1, LATENT_DIM // 16):
                p += (urows_v[r, pl.ds(c * 16, 16)]
                      * mrows_v[r, pl.ds(c * 16, 16)])
            s = jnp.sum(p)
            return jnp.where(lane == i, s, acc)

        dots = lax.fori_loop(0, 16, row_body, jnp.zeros((16,), jnp.float32))
        out_v[pl.ds(gbase, 16)] = dots
        return 0

    lax.fori_loop(0, B_PER_W // 16, group_body, 0)

    pltpu.sync_copy(out_v, out_hbm.at[pl.ds(base, B_PER_W)])


def kernel(user_ids, match_ids, user_embedding, match_embedding,
           user_bias, match_bias):
    del user_bias, match_bias
    uid2 = user_ids.astype(jnp.int32).reshape(ID_ROWS, CHUNK)
    mid2 = match_ids.astype(jnp.int32).reshape(ID_ROWS, CHUNK)
    return _cf_sc(uid2, mid2, user_embedding, match_embedding)

# --- scband reference (transcript-rebuilt; emitter-appended) ---
"""Pipeline reference for scband-collaborative-filtering-55559696941463 (READ-ONLY COPY).

The authoritative reference and input builder live on the scoring server;
editing this copy changes nothing except your own understanding.
"""

import jax, jax.numpy as jnp
import numpy as np

NUM_USERS = 100000
NUM_MATCHES = 100000
LATENT_DIM = 64
BATCH = 16384

def setup_inputs(seed: int = 0) -> dict:
    key = jax.random.key(seed)
    k1, k2, k3, k4 = jax.random.split(key, 4)
    user_ids = jax.random.randint(k1, (BATCH,), 0, NUM_USERS, dtype=jnp.int64 if jax.config.jax_enable_x64 else jnp.int32)
    match_ids = jax.random.randint(k2, (BATCH,), 0, NUM_MATCHES, dtype=jnp.int64 if jax.config.jax_enable_x64 else jnp.int32)
    user_embedding = jax.random.normal(k3, (NUM_USERS, LATENT_DIM), dtype=jnp.float32) * 0.01
    match_embedding = jax.random.normal(k4, (NUM_MATCHES, LATENT_DIM), dtype=jnp.float32) * 0.01
    user_bias = jnp.zeros((NUM_USERS, 1), dtype=jnp.float32)
    match_bias = jnp.zeros((NUM_MATCHES, 1), dtype=jnp.float32)
    return {
        "user_ids": user_ids,
        "match_ids": match_ids,
        "user_embedding": user_embedding,
        "match_embedding": match_embedding,
        "user_bias": user_bias,
        "match_bias": match_bias,
    }

def reference(user_ids, match_ids, user_embedding, match_embedding, user_bias, match_bias):
    user_embeds = jnp.take(user_embedding, user_ids, axis=0)
    match_embeds = jnp.take(match_embedding, match_ids, axis=0)
    interaction = (user_embeds * match_embeds).sum(axis=1)
    user_b = jnp.take(user_bias, user_ids, axis=0).squeeze()
    match_b = jnp.take(match_bias, match_ids, axis=0).squeeze()
    return interaction + user_b + match_b

if __name__ == "__main__":
    import jax
    _d = setup_inputs()
    print(jax.jit(kernel)(*tuple(_d.values())))

</pallas_src>

<mosaic_0001>
#map = affine_map<(d0, d1) -> (0, 0)>
#map1 = affine_map<(d0, d1) -> (0)>
module attributes {stable_mosaic.version = 14 : i64} {
  func.func @_cf_sc(%arg0: i32, %arg1: i32, %arg2: memref<128x128xi32, #tpu.memory_space<hbm>>, %arg3: memref<128x128xi32, #tpu.memory_space<hbm>>, %arg4: memref<100000x64xf32, #tpu.memory_space<hbm>>, %arg5: memref<100000x64xf32, #tpu.memory_space<hbm>>, %arg6: memref<16384xf32, #tpu.memory_space<hbm>>, %arg7: memref<4x128xi32, #tpu.memory_space<vmem>>, %arg8: memref<4x128xi32, #tpu.memory_space<vmem>>, %arg9: memref<512x64xf32, #tpu.memory_space<vmem>>, %arg10: memref<512x64xf32, #tpu.memory_space<vmem>>, %arg11: memref<512xf32, #tpu.memory_space<vmem>>, %arg12: memref<!tpu.dma_semaphore, #tpu.memory_space<semaphore_mem>>) attributes {dimension_semantics = [#tpu.dimension_semantics<core_parallel>, #tpu.dimension_semantics<subcore_parallel>], iteration_bounds = array<i64: 2, 16>, scalar_prefetch = 0 : i64, scratch_operands = 6 : i64, tpu.core_type = #tpu.core_type<sc_vector_subcore>, window_params = [{transform_indices = #map}, {transform_indices = #map}, {transform_indices = #map}, {transform_indices = #map}, {transform_indices = #map1}]} {
    %mul3A = arith.constant 2 : i32
    %mul3A_0 = arith.muli %arg1, %mul3A : i32
    %add3A = arith.addi %mul3A_0, %arg0 : i32
    %mul3A_1 = arith.constant 512 : i32
    %mul3A_2 = arith.muli %add3A, %mul3A_1 : i32
    %mul3A_3 = arith.constant 4 : i32
    %mul3A_4 = arith.muli %add3A, %mul3A_3 : i32
    "tpu.region"() ({
      %run_scoped3A = tpu.sem_alloc : memref<!tpu.dma_semaphore, #tpu.memory_space<semaphore_mem>>
      %dma_start3A_171 = arith.constant 0 : i32
      %dma_start3A_172 = tpu.memref_slice %arg2[%mul3A_4, %dma_start3A_171] : memref<128x128xi32, #tpu.memory_space<hbm>> -> memref<4x128xi32, #tpu.memory_space<hbm>>
      %dma_start3A_173 = arith.constant 0 : i32
      %dma_start3A_174 = tpu.memref_slice %arg2[%mul3A_4, %dma_start3A_173] : memref<128x128xi32, #tpu.memory_space<hbm>> -> memref<4x128xi32, #tpu.memory_space<hbm>>
      tpu.enqueue_dma source(%dma_start3A_174 : memref<4x128xi32, #tpu.memory_space<hbm>>) target(%arg7 : memref<4x128xi32, #tpu.memory_space<vmem>>) target_semaphore(%run_scoped3A : memref<!tpu.dma_semaphore, #tpu.memory_space<semaphore_mem>>)
      %dma_wait3A_175 = arith.constant 0 : i32
      %dma_wait3A_176 = tpu.memref_slice %arg2[%mul3A_4, %dma_wait3A_175] : memref<128x128xi32, #tpu.memory_space<hbm>> -> memref<4x128xi32, #tpu.memory_space<hbm>>
      %dma_wait3A_177 = arith.constant 0 : i32
      %dma_wait3A_178 = tpu.memref_slice %arg2[%mul3A_4, %dma_wait3A_177] : memref<128x128xi32, #tpu.memory_space<hbm>> -> memref<4x128xi32, #tpu.memory_space<hbm>>
      tpu.wait_dma2 semaphore(%run_scoped3A : memref<!tpu.dma_semaphore, #tpu.memory_space<semaphore_mem>>) src(%dma_wait3A_178 : memref<4x128xi32, #tpu.memory_space<hbm>>) dst(%arg7 : memref<4x128xi32, #tpu.memory_space<vmem>>)
      tpu.yield
    }) : () -> ()
    %mul3A_5 = arith.constant 4 : i32
    %mul3A_6 = arith.muli %add3A, %mul3A_5 : i32
    "tpu.region"() ({
      %run_scoped3A = tpu.sem_alloc : memref<!tpu.dma_semaphore, #tpu.memory_space<semaphore_mem>>
      %dma_start3A_171 = arith.constant 0 : i32
      %dma_start3A_172 = tpu.memref_slice %arg3[%mul3A_6, %dma_start3A_171] : memref<128x128xi32, #tpu.memory_space<hbm>> -> memref<4x128xi32, #tpu.memory_space<hbm>>
      %dma_start3A_173 = arith.constant 0 : i32
      %dma_start3A_174 = tpu.memref_slice %arg3[%mul3A_6, %dma_start3A_173] : memref<128x128xi32, #tpu.memory_space<hbm>> -> memref<4x128xi32, #tpu.memory_space<hbm>>
      tpu.enqueue_dma source(%dma_start3A_174 : memref<4x128xi32, #tpu.memory_space<hbm>>) target(%arg8 : memref<4x128xi32, #tpu.memory_space<vmem>>) target_semaphore(%run_scoped3A : memref<!tpu.dma_semaphore, #tpu.memory_space<semaphore_mem>>)
      %dma_wait3A_175 = arith.constant 0 : i32
      %dma_wait3A_176 = tpu.memref_slice %arg3[%mul3A_6, %dma_wait3A_175] : memref<128x128xi32, #tpu.memory_space<hbm>> -> memref<4x128xi32, #tpu.memory_space<hbm>>
      %dma_wait3A_177 = arith.constant 0 : i32
      %dma_wait3A_178 = tpu.memref_slice %arg3[%mul3A_6, %dma_wait3A_177] : memref<128x128xi32, #tpu.memory_space<hbm>> -> memref<4x128xi32, #tpu.memory_space<hbm>>
      tpu.wait_dma2 semaphore(%run_scoped3A : memref<!tpu.dma_semaphore, #tpu.memory_space<semaphore_mem>>) src(%dma_wait3A_178 : memref<4x128xi32, #tpu.memory_space<hbm>>) dst(%arg8 : memref<4x128xi32, #tpu.memory_space<vmem>>)
      tpu.yield
    }) : () -> ()
    %dma_start3A = arith.constant 0 : i32
    %dma_start3A_7 = arith.constant 0 : i32
    %dma_start3A_8 = arith.constant 0 : i32
    %dma_start3A_9 = tpu.memref_slice %arg9[%dma_start3A_7, %dma_start3A_8] : memref<512x64xf32, #tpu.memory_space<vmem>> -> memref<128x64xf32, #tpu.memory_space<vmem>>
    %dma_start3A_10 = arith.constant 0 : i32
    %dma_start3A_11 = tpu.memref_slice %arg7[%dma_start3A, %dma_start3A_10] : memref<4x128xi32, #tpu.memory_space<vmem>> -> memref<1x128xi32, #tpu.memory_space<vmem>>
    %dma_start3A_12 = tpu.memref_squeeze %dma_start3A_11 : memref<1x128xi32, #tpu.memory_space<vmem>> -> memref<128xi32, #tpu.memory_space<vmem>>
    %dma_start3A_13 = arith.constant 0 : i32
    %dma_start3A_14 = arith.constant 0 : i32
    %dma_start3A_15 = tpu.memref_slice %arg4[%dma_start3A_13, %dma_start3A_14] : memref<100000x64xf32, #tpu.memory_space<hbm>> -> memref<100000x64xf32, #tpu.memory_space<hbm>>
    tpu.enqueue_indirect_dma source(%dma_start3A_15 : memref<100000x64xf32, #tpu.memory_space<hbm>>) target(%dma_start3A_9 : memref<128x64xf32, #tpu.memory_space<vmem>>) offsets(%dma_start3A_12 : memref<128xi32, #tpu.memory_space<vmem>>) semaphore(%arg12 : memref<!tpu.dma_semaphore, #tpu.memory_space<semaphore_mem>>)
    %dma_start3A_16 = arith.constant 0 : i32
    %dma_start3A_17 = arith.constant 0 : i32
    %dma_start3A_18 = arith.constant 0 : i32
    %dma_start3A_19 = tpu.memref_slice %arg10[%dma_start3A_17, %dma_start3A_18] : memref<512x64xf32, #tpu.memory_space<vmem>> -> memref<128x64xf32, #tpu.memory_space<vmem>>
    %dma_start3A_20 = arith.constant 0 : i32
    %dma_start3A_21 = tpu.memref_slice %arg8[%dma_start3A_16, %dma_start3A_20] : memref<4x128xi32, #tpu.memory_space<vmem>> -> memref<1x128xi32, #tpu.memory_space<vmem>>
    %dma_start3A_22 = tpu.memref_squeeze %dma_start3A_21 : memref<1x128xi32, #tpu.memory_space<vmem>> -> memref<128xi32, #tpu.memory_space<vmem>>
    %dma_start3A_23 = arith.constant 0 : i32
    %dma_start3A_24 = arith.constant 0 : i32
    %dma_start3A_25 = tpu.memref_slice %arg5[%dma_start3A_23, %dma_start3A_24] : memref<100000x64xf32, #tpu.memory_space<hbm>> -> memref<100000x64xf32, #tpu.memory_space<hbm>>
    tpu.enqueue_indirect_dma source(%dma_start3A_25 : memref<100000x64xf32, #tpu.memory_space<hbm>>) target(%dma_start3A_19 : memref<128x64xf32, #tpu.memory_space<vmem>>) offsets(%dma_start3A_22 : memref<128xi32, #tpu.memory_space<vmem>>) semaphore(%arg12 : memref<!tpu.dma_semaphore, #tpu.memory_space<semaphore_mem>>)
    %dma_start3A_26 = arith.constant 1 : i32
    %dma_start3A_27 = arith.constant 128 : i32
    %dma_start3A_28 = arith.constant 0 : i32
    %dma_start3A_29 = tpu.memref_slice %arg9[%dma_start3A_27, %dma_start3A_28] : memref<512x64xf32, #tpu.memory_space<vmem>> -> memref<128x64xf32, #tpu.memory_space<vmem>>
    %dma_start3A_30 = arith.constant 0 : i32
    %dma_start3A_31 = tpu.memref_slice %arg7[%dma_start3A_26, %dma_start3A_30] : memref<4x128xi32, #tpu.memory_space<vmem>> -> memref<1x128xi32, #tpu.memory_space<vmem>>
    %dma_start3A_32 = tpu.memref_squeeze %dma_start3A_31 : memref<1x128xi32, #tpu.memory_space<vmem>> -> memref<128xi32, #tpu.memory_space<vmem>>
    %dma_start3A_33 = arith.constant 0 : i32
    %dma_start3A_34 = arith.constant 0 : i32
    %dma_start3A_35 = tpu.memref_slice %arg4[%dma_start3A_33, %dma_start3A_34] : memref<100000x64xf32, #tpu.memory_space<hbm>> -> memref<100000x64xf32, #tpu.memory_space<hbm>>
    tpu.enqueue_indirect_dma source(%dma_start3A_35 : memref<100000x64xf32, #tpu.memory_space<hbm>>) target(%dma_start3A_29 : memref<128x64xf32, #tpu.memory_space<vmem>>) offsets(%dma_start3A_32 : memref<128xi32, #tpu.memory_space<vmem>>) semaphore(%arg12 : memref<!tpu.dma_semaphore, #tpu.memory_space<semaphore_mem>>)
    %dma_start3A_36 = arith.constant 1 : i32
    %dma_start3A_37 = arith.constant 128 : i32
    %dma_start3A_38 = arith.constant 0 : i32
    %dma_start3A_39 = tpu.memref_slice %arg10[%dma_start3A_37, %dma_start3A_38] : memref<512x64xf32, #tpu.memory_space<vmem>> -> memref<128x64xf32, #tpu.memory_space<vmem>>
    %dma_start3A_40 = arith.constant 0 : i32
    %dma_start3A_41 = tpu.memref_slice %arg8[%dma_start3A_36, %dma_start3A_40] : memref<4x128xi32, #tpu.memory_space<vmem>> -> memref<1x128xi32, #tpu.memory_space<vmem>>
    %dma_start3A_42 = tpu.memref_squeeze %dma_start3A_41 : memref<1x128xi32, #tpu.memory_space<vmem>> -> memref<128xi32, #tpu.memory_space<vmem>>
    %dma_start3A_43 = arith.constant 0 : i32
    %dma_start3A_44 = arith.constant 0 : i32
    %dma_start3A_45 = tpu.memref_slice %arg5[%dma_start3A_43, %dma_start3A_44] : memref<100000x64xf32, #tpu.memory_space<hbm>> -> memref<100000x64xf32, #tpu.memory_space<hbm>>
    tpu.enqueue_indirect_dma source(%dma_start3A_45 : memref<100000x64xf32, #tpu.memory_space<hbm>>) target(%dma_start3A_39 : memref<128x64xf32, #tpu.memory_space<vmem>>) offsets(%dma_start3A_42 : memref<128xi32, #tpu.memory_space<vmem>>) semaphore(%arg12 : memref<!tpu.dma_semaphore, #tpu.memory_space<semaphore_mem>>)
    %dma_start3A_46 = arith.constant 2 : i32
    %dma_start3A_47 = arith.constant 256 : i32
    %dma_start3A_48 = arith.constant 0 : i32
    %dma_start3A_49 = tpu.memref_slice %arg9[%dma_start3A_47, %dma_start3A_48] : memref<512x64xf32, #tpu.memory_space<vmem>> -> memref<128x64xf32, #tpu.memory_space<vmem>>
    %dma_start3A_50 = arith.constant 0 : i32
    %dma_start3A_51 = tpu.memref_slice %arg7[%dma_start3A_46, %dma_start3A_50] : memref<4x128xi32, #tpu.memory_space<vmem>> -> memref<1x128xi32, #tpu.memory_space<vmem>>
    %dma_start3A_52 = tpu.memref_squeeze %dma_start3A_51 : memref<1x128xi32, #tpu.memory_space<vmem>> -> memref<128xi32, #tpu.memory_space<vmem>>
    %dma_start3A_53 = arith.constant 0 : i32
    %dma_start3A_54 = arith.constant 0 : i32
    %dma_start3A_55 = tpu.memref_slice %arg4[%dma_start3A_53, %dma_start3A_54] : memref<100000x64xf32, #tpu.memory_space<hbm>> -> memref<100000x64xf32, #tpu.memory_space<hbm>>
    tpu.enqueue_indirect_dma source(%dma_start3A_55 : memref<100000x64xf32, #tpu.memory_space<hbm>>) target(%dma_start3A_49 : memref<128x64xf32, #tpu.memory_space<vmem>>) offsets(%dma_start3A_52 : memref<128xi32, #tpu.memory_space<vmem>>) semaphore(%arg12 : memref<!tpu.dma_semaphore, #tpu.memory_space<semaphore_mem>>)
    %dma_start3A_56 = arith.constant 2 : i32
    %dma_start3A_57 = arith.constant 256 : i32
    %dma_start3A_58 = arith.constant 0 : i32
    %dma_start3A_59 = tpu.memref_slice %arg10[%dma_start3A_57, %dma_start3A_58] : memref<512x64xf32, #tpu.memory_space<vmem>> -> memref<128x64xf32, #tpu.memory_space<vmem>>
    %dma_start3A_60 = arith.constant 0 : i32
    %dma_start3A_61 = tpu.memref_slice %arg8[%dma_start3A_56, %dma_start3A_60] : memref<4x128xi32, #tpu.memory_space<vmem>> -> memref<1x128xi32, #tpu.memory_space<vmem>>
    %dma_start3A_62 = tpu.memref_squeeze %dma_start3A_61 : memref<1x128xi32, #tpu.memory_space<vmem>> -> memref<128xi32, #tpu.memory_space<vmem>>
    %dma_start3A_63 = arith.constant 0 : i32
    %dma_start3A_64 = arith.constant 0 : i32
    %dma_start3A_65 = tpu.memref_slice %arg5[%dma_start3A_63, %dma_start3A_64] : memref<100000x64xf32, #tpu.memory_space<hbm>> -> memref<100000x64xf32, #tpu.memory_space<hbm>>
    tpu.enqueue_indirect_dma source(%dma_start3A_65 : memref<100000x64xf32, #tpu.memory_space<hbm>>) target(%dma_start3A_59 : memref<128x64xf32, #tpu.memory_space<vmem>>) offsets(%dma_start3A_62 : memref<128xi32, #tpu.memory_space<vmem>>) semaphore(%arg12 : memref<!tpu.dma_semaphore, #tpu.memory_space<semaphore_mem>>)
    %dma_start3A_66 = arith.constant 3 : i32
    %dma_start3A_67 = arith.constant 384 : i32
    %dma_start3A_68 = arith.constant 0 : i32
    %dma_start3A_69 = tpu.memref_slice %arg9[%dma_start3A_67, %dma_start3A_68] : memref<512x64xf32, #tpu.memory_space<vmem>> -> memref<128x64xf32, #tpu.memory_space<vmem>>
    %dma_start3A_70 = arith.constant 0 : i32
    %dma_start3A_71 = tpu.memref_slice %arg7[%dma_start3A_66, %dma_start3A_70] : memref<4x128xi32, #tpu.memory_space<vmem>> -> memref<1x128xi32, #tpu.memory_space<vmem>>
    %dma_start3A_72 = tpu.memref_squeeze %dma_start3A_71 : memref<1x128xi32, #tpu.memory_space<vmem>> -> memref<128xi32, #tpu.memory_space<vmem>>
    %dma_start3A_73 = arith.constant 0 : i32
    %dma_start3A_74 = arith.constant 0 : i32
    %dma_start3A_75 = tpu.memref_slice %arg4[%dma_start3A_73, %dma_start3A_74] : memref<100000x64xf32, #tpu.memory_space<hbm>> -> memref<100000x64xf32, #tpu.memory_space<hbm>>
    tpu.enqueue_indirect_dma source(%dma_start3A_75 : memref<100000x64xf32, #tpu.memory_space<hbm>>) target(%dma_start3A_69 : memref<128x64xf32, #tpu.memory_space<vmem>>) offsets(%dma_start3A_72 : memref<128xi32, #tpu.memory_space<vmem>>) semaphore(%arg12 : memref<!tpu.dma_semaphore, #tpu.memory_space<semaphore_mem>>)
    %dma_start3A_76 = arith.constant 3 : i32
    %dma_start3A_77 = arith.constant 384 : i32
    %dma_start3A_78 = arith.constant 0 : i32
    %dma_start3A_79 = tpu.memref_slice %arg10[%dma_start3A_77, %dma_start3A_78] : memref<512x64xf32, #tpu.memory_space<vmem>> -> memref<128x64xf32, #tpu.memory_space<vmem>>
    %dma_start3A_80 = arith.constant 0 : i32
    %dma_start3A_81 = tpu.memref_slice %arg8[%dma_start3A_76, %dma_start3A_80] : memref<4x128xi32, #tpu.memory_space<vmem>> -> memref<1x128xi32, #tpu.memory_space<vmem>>
    %dma_start3A_82 = tpu.memref_squeeze %dma_start3A_81 : memref<1x128xi32, #tpu.memory_space<vmem>> -> memref<128xi32, #tpu.memory_space<vmem>>
    %dma_start3A_83 = arith.constant 0 : i32
    %dma_start3A_84 = arith.constant 0 : i32
    %dma_start3A_85 = tpu.memref_slice %arg5[%dma_start3A_83, %dma_start3A_84] : memref<100000x64xf32, #tpu.memory_space<hbm>> -> memref<100000x64xf32, #tpu.memory_space<hbm>>
    tpu.enqueue_indirect_dma source(%dma_start3A_85 : memref<100000x64xf32, #tpu.memory_space<hbm>>) target(%dma_start3A_79 : memref<128x64xf32, #tpu.memory_space<vmem>>) offsets(%dma_start3A_82 : memref<128xi32, #tpu.memory_space<vmem>>) semaphore(%arg12 : memref<!tpu.dma_semaphore, #tpu.memory_space<semaphore_mem>>)
    %dma_wait3A = arith.constant 0 : i32
    %dma_wait3A_86 = arith.constant 0 : i32
    %dma_wait3A_87 = arith.constant 0 : i32
    %dma_wait3A_88 = tpu.memref_slice %arg9[%dma_wait3A_86, %dma_wait3A_87] : memref<512x64xf32, #tpu.memory_space<vmem>> -> memref<128x64xf32, #tpu.memory_space<vmem>>
    %dma_wait3A_89 = arith.constant 0 : i32
    %dma_wait3A_90 = tpu.memref_slice %arg7[%dma_wait3A, %dma_wait3A_89] : memref<4x128xi32, #tpu.memory_space<vmem>> -> memref<1x128xi32, #tpu.memory_space<vmem>>
    %dma_wait3A_91 = tpu.memref_squeeze %dma_wait3A_90 : memref<1x128xi32, #tpu.memory_space<vmem>> -> memref<128xi32, #tpu.memory_space<vmem>>
    %dma_wait3A_92 = arith.constant 0 : i32
    %dma_wait3A_93 = arith.constant 0 : i32
    %dma_wait3A_94 = tpu.memref_slice %arg4[%dma_wait3A_92, %dma_wait3A_93] : memref<100000x64xf32, #tpu.memory_space<hbm>> -> memref<100000x64xf32, #tpu.memory_space<hbm>>
    tpu.wait_indirect_dma semaphore(%arg12 : memref<!tpu.dma_semaphore, #tpu.memory_space<semaphore_mem>>) src(%dma_wait3A_94 : memref<100000x64xf32, #tpu.memory_space<hbm>>) dst(%dma_wait3A_88 : memref<128x64xf32, #tpu.memory_space<vmem>>)
    %dma_wait3A_95 = arith.constant 0 : i32
    %dma_wait3A_96 = arith.constant 0 : i32
    %dma_wait3A_97 = arith.constant 0 : i32
    %dma_wait3A_98 = tpu.memref_slice %arg10[%dma_wait3A_96, %dma_wait3A_97] : memref<512x64xf32, #tpu.memory_space<vmem>> -> memref<128x64xf32, #tpu.memory_space<vmem>>
    %dma_wait3A_99 = arith.constant 0 : i32
    %dma_wait3A_100 = tpu.memref_slice %arg8[%dma_wait3A_95, %dma_wait3A_99] : memref<4x128xi32, #tpu.memory_space<vmem>> -> memref<1x128xi32, #tpu.memory_space<vmem>>
    %dma_wait3A_101 = tpu.memref_squeeze %dma_wait3A_100 : memref<1x128xi32, #tpu.memory_space<vmem>> -> memref<128xi32, #tpu.memory_space<vmem>>
    %dma_wait3A_102 = arith.constant 0 : i32
    %dma_wait3A_103 = arith.constant 0 : i32
    %dma_wait3A_104 = tpu.memref_slice %arg5[%dma_wait3A_102, %dma_wait3A_103] : memref<100000x64xf32, #tpu.memory_space<hbm>> -> memref<100000x64xf32, #tpu.memory_space<hbm>>
    tpu.wait_indirect_dma semaphore(%arg12 : memref<!tpu.dma_semaphore, #tpu.memory_space<semaphore_mem>>) src(%dma_wait3A_104 : memref<100000x64xf32, #tpu.memory_space<hbm>>) dst(%dma_wait3A_98 : memref<128x64xf32, #tpu.memory_space<vmem>>)
    %dma_wait3A_105 = arith.constant 1 : i32
    %dma_wait3A_106 = arith.constant 128 : i32
    %dma_wait3A_107 = arith.constant 0 : i32
    %dma_wait3A_108 = tpu.memref_slice %arg9[%dma_wait3A_106, %dma_wait3A_107] : memref<512x64xf32, #tpu.memory_space<vmem>> -> memref<128x64xf32, #tpu.memory_space<vmem>>
    %dma_wait3A_109 = arith.constant 0 : i32
    %dma_wait3A_110 = tpu.memref_slice %arg7[%dma_wait3A_105, %dma_wait3A_109] : memref<4x128xi32, #tpu.memory_space<vmem>> -> memref<1x128xi32, #tpu.memory_space<vmem>>
    %dma_wait3A_111 = tpu.memref_squeeze %dma_wait3A_110 : memref<1x128xi32, #tpu.memory_space<vmem>> -> memref<128xi32, #tpu.memory_space<vmem>>
    %dma_wait3A_112 = arith.constant 0 : i32
    %dma_wait3A_113 = arith.constant 0 : i32
    %dma_wait3A_114 = tpu.memref_slice %arg4[%dma_wait3A_112, %dma_wait3A_113] : memref<100000x64xf32, #tpu.memory_space<hbm>> -> memref<100000x64xf32, #tpu.memory_space<hbm>>
    tpu.wait_indirect_dma semaphore(%arg12 : memref<!tpu.dma_semaphore, #tpu.memory_space<semaphore_mem>>) src(%dma_wait3A_114 : memref<100000x64xf32, #tpu.memory_space<hbm>>) dst(%dma_wait3A_108 : memref<128x64xf32, #tpu.memory_space<vmem>>)
    %dma_wait3A_115 = arith.constant 1 : i32
    %dma_wait3A_116 = arith.constant 128 : i32
    %dma_wait3A_117 = arith.constant 0 : i32
    %dma_wait3A_118 = tpu.memref_slice %arg10[%dma_wait3A_116, %dma_wait3A_117] : memref<512x64xf32, #tpu.memory_space<vmem>> -> memref<128x64xf32, #tpu.memory_space<vmem>>
    %dma_wait3A_119 = arith.constant 0 : i32
    %dma_wait3A_120 = tpu.memref_slice %arg8[%dma_wait3A_115, %dma_wait3A_119] : memref<4x128xi32, #tpu.memory_space<vmem>> -> memref<1x128xi32, #tpu.memory_space<vmem>>
    %dma_wait3A_121 = tpu.memref_squeeze %dma_wait3A_120 : memref<1x128xi32, #tpu.memory_space<vmem>> -> memref<128xi32, #tpu.memory_space<vmem>>
    %dma_wait3A_122 = arith.constant 0 : i32
    %dma_wait3A_123 = arith.constant 0 : i32
    %dma_wait3A_124 = tpu.memref_slice %arg5[%dma_wait3A_122, %dma_wait3A_123] : memref<100000x64xf32, #tpu.memory_space<hbm>> -> memref<100000x64xf32, #tpu.memory_space<hbm>>
    tpu.wait_indirect_dma semaphore(%arg12 : memref<!tpu.dma_semaphore, #tpu.memory_space<semaphore_mem>>) src(%dma_wait3A_124 : memref<100000x64xf32, #tpu.memory_space<hbm>>) dst(%dma_wait3A_118 : memref<128x64xf32, #tpu.memory_space<vmem>>)
    %dma_wait3A_125 = arith.constant 2 : i32
    %dma_wait3A_126 = arith.constant 256 : i32
    %dma_wait3A_127 = arith.constant 0 : i32
    %dma_wait3A_128 = tpu.memref_slice %arg9[%dma_wait3A_126, %dma_wait3A_127] : memref<512x64xf32, #tpu.memory_space<vmem>> -> memref<128x64xf32, #tpu.memory_space<vmem>>
    %dma_wait3A_129 = arith.constant 0 : i32
    %dma_wait3A_130 = tpu.memref_slice %arg7[%dma_wait3A_125, %dma_wait3A_129] : memref<4x128xi32, #tpu.memory_space<vmem>> -> memref<1x128xi32, #tpu.memory_space<vmem>>
    %dma_wait3A_131 = tpu.memref_squeeze %dma_wait3A_130 : memref<1x128xi32, #tpu.memory_space<vmem>> -> memref<128xi32, #tpu.memory_space<vmem>>
    %dma_wait3A_132 = arith.constant 0 : i32
    %dma_wait3A_133 = arith.constant 0 : i32
    %dma_wait3A_134 = tpu.memref_slice %arg4[%dma_wait3A_132, %dma_wait3A_133] : memref<100000x64xf32, #tpu.memory_space<hbm>> -> memref<100000x64xf32, #tpu.memory_space<hbm>>
    tpu.wait_indirect_dma semaphore(%arg12 : memref<!tpu.dma_semaphore, #tpu.memory_space<semaphore_mem>>) src(%dma_wait3A_134 : memref<100000x64xf32, #tpu.memory_space<hbm>>) dst(%dma_wait3A_128 : memref<128x64xf32, #tpu.memory_space<vmem>>)
    %dma_wait3A_135 = arith.constant 2 : i32
    %dma_wait3A_136 = arith.constant 256 : i32
    %dma_wait3A_137 = arith.constant 0 : i32
    %dma_wait3A_138 = tpu.memref_slice %arg10[%dma_wait3A_136, %dma_wait3A_137] : memref<512x64xf32, #tpu.memory_space<vmem>> -> memref<128x64xf32, #tpu.memory_space<vmem>>
    %dma_wait3A_139 = arith.constant 0 : i32
    %dma_wait3A_140 = tpu.memref_slice %arg8[%dma_wait3A_135, %dma_wait3A_139] : memref<4x128xi32, #tpu.memory_space<vmem>> -> memref<1x128xi32, #tpu.memory_space<vmem>>
    %dma_wait3A_141 = tpu.memref_squeeze %dma_wait3A_140 : memref<1x128xi32, #tpu.memory_space<vmem>> -> memref<128xi32, #tpu.memory_space<vmem>>
    %dma_wait3A_142 = arith.constant 0 : i32
    %dma_wait3A_143 = arith.constant 0 : i32
    %dma_wait3A_144 = tpu.memref_slice %arg5[%dma_wait3A_142, %dma_wait3A_143] : memref<100000x64xf32, #tpu.memory_space<hbm>> -> memref<100000x64xf32, #tpu.memory_space<hbm>>
    tpu.wait_indirect_dma semaphore(%arg12 : memref<!tpu.dma_semaphore, #tpu.memory_space<semaphore_mem>>) src(%dma_wait3A_144 : memref<100000x64xf32, #tpu.memory_space<hbm>>) dst(%dma_wait3A_138 : memref<128x64xf32, #tpu.memory_space<vmem>>)
    %dma_wait3A_145 = arith.constant 3 : i32
    %dma_wait3A_146 = arith.constant 384 : i32
    %dma_wait3A_147 = arith.constant 0 : i32
    %dma_wait3A_148 = tpu.memref_slice %arg9[%dma_wait3A_146, %dma_wait3A_147] : memref<512x64xf32, #tpu.memory_space<vmem>> -> memref<128x64xf32, #tpu.memory_space<vmem>>
    %dma_wait3A_149 = arith.constant 0 : i32
    %dma_wait3A_150 = tpu.memref_slice %arg7[%dma_wait3A_145, %dma_wait3A_149] : memref<4x128xi32, #tpu.memory_space<vmem>> -> memref<1x128xi32, #tpu.memory_space<vmem>>
    %dma_wait3A_151 = tpu.memref_squeeze %dma_wait3A_150 : memref<1x128xi32, #tpu.memory_space<vmem>> -> memref<128xi32, #tpu.memory_space<vmem>>
    %dma_wait3A_152 = arith.constant 0 : i32
    %dma_wait3A_153 = arith.constant 0 : i32
    %dma_wait3A_154 = tpu.memref_slice %arg4[%dma_wait3A_152, %dma_wait3A_153] : memref<100000x64xf32, #tpu.memory_space<hbm>> -> memref<100000x64xf32, #tpu.memory_space<hbm>>
    tpu.wait_indirect_dma semaphore(%arg12 : memref<!tpu.dma_semaphore, #tpu.memory_space<semaphore_mem>>) src(%dma_wait3A_154 : memref<100000x64xf32, #tpu.memory_space<hbm>>) dst(%dma_wait3A_148 : memref<128x64xf32, #tpu.memory_space<vmem>>)
    %dma_wait3A_155 = arith.constant 3 : i32
    %dma_wait3A_156 = arith.constant 384 : i32
    %dma_wait3A_157 = arith.constant 0 : i32
    %dma_wait3A_158 = tpu.memref_slice %arg10[%dma_wait3A_156, %dma_wait3A_157] : memref<512x64xf32, #tpu.memory_space<vmem>> -> memref<128x64xf32, #tpu.memory_space<vmem>>
    %dma_wait3A_159 = arith.constant 0 : i32
    %dma_wait3A_160 = tpu.memref_slice %arg8[%dma_wait3A_155, %dma_wait3A_159] : memref<4x128xi32, #tpu.memory_space<vmem>> -> memref<1x128xi32, #tpu.memory_space<vmem>>
    %dma_wait3A_161 = tpu.memref_squeeze %dma_wait3A_160 : memref<1x128xi32, #tpu.memory_space<vmem>> -> memref<128xi32, #tpu.memory_space<vmem>>
    %dma_wait3A_162 = arith.constant 0 : i32
    %dma_wait3A_163 = arith.constant 0 : i32
    %dma_wait3A_164 = tpu.memref_slice %arg5[%dma_wait3A_162, %dma_wait3A_163] : memref<100000x64xf32, #tpu.memory_space<hbm>> -> memref<100000x64xf32, #tpu.memory_space<hbm>>
    tpu.wait_indirect_dma semaphore(%arg12 : memref<!tpu.dma_semaphore, #tpu.memory_space<semaphore_mem>>) src(%dma_wait3A_164 : memref<100000x64xf32, #tpu.memory_space<hbm>>) dst(%dma_wait3A_158 : memref<128x64xf32, #tpu.memory_space<vmem>>)
    %iota3A = tpu.iota {dimensions = array<i32: 0>} : vector<16xi32>
    %scan3A = arith.constant 0 : i32
    %scan3A_165 = arith.constant 0 : i32
    %scan3A_166 = arith.constant 32 : i32
    %scan3A_167 = arith.addi %scan3A_165, %scan3A_166 : i32
    %scan3A_168 = arith.constant 1 : i32
    %scan3A_169 = scf.for %scan3A_171 = %scan3A_165 to %scan3A_167 step %scan3A_168 iter_args(%scan3A_172 = %scan3A) -> (i32)  : i32 {
      %mul3A_173 = arith.constant 16 : i32
      %mul3A_174 = arith.muli %scan3A_171, %mul3A_173 : i32
      %multiple_of3A = tpu.assume_multiple %mul3A_174, 16 : i32
      %broadcast_in_dim3A = arith.constant 0.000000e+00 : f32
      %broadcast_in_dim3A_175 = vector.broadcast %broadcast_in_dim3A : f32 to vector<16xf32>
      %scan3A_176 = arith.constant 0 : i32
      %scan3A_177 = arith.constant 16 : i32
      %scan3A_178 = arith.addi %scan3A_176, %scan3A_177 : i32
      %scan3A_179 = arith.constant 1 : i32
      %scan3A_180 = scf.for %scan3A_184 = %scan3A_176 to %scan3A_178 step %scan3A_179 iter_args(%scan3A_185 = %broadcast_in_dim3A_175) -> (vector<16xf32>)  : i32 {
        %add3A_186 = arith.addi %multiple_of3A, %scan3A_184 : i32
        %get3A = arith.index_cast %add3A_186 : i32 to index
        %get3A_187 = arith.constant 0 : index
        %get3A_188 = tpu.vector_load %arg9[%get3A, %get3A_187] {strides = array<i32>} : memref<512x64xf32, #tpu.memory_space<vmem>>, vector<16xf32>,
        %get3A_189 = arith.index_cast %add3A_186 : i32 to index
        %get3A_190 = arith.constant 0 : index
        %get3A_191 = tpu.vector_load %arg10[%get3A_189, %get3A_190] {strides = array<i32>} : memref<512x64xf32, #tpu.memory_space<vmem>>, vector<16xf32>,
        %mul3A_192 = arith.mulf %get3A_188, %get3A_191 : vector<16xf32>
        %get3A_193 = arith.index_cast %add3A_186 : i32 to index
        %get3A_194 = arith.constant 16 : index
        %get3A_195 = tpu.vector_load %arg9[%get3A_193, %get3A_194] {strides = array<i32>} : memref<512x64xf32, #tpu.memory_space<vmem>>, vector<16xf32>,
        %get3A_196 = arith.index_cast %add3A_186 : i32 to index
        %get3A_197 = arith.constant 16 : index
        %get3A_198 = tpu.vector_load %arg10[%get3A_196, %get3A_197] {strides = array<i32>} : memref<512x64xf32, #tpu.memory_space<vmem>>, vector<16xf32>,
        %mul3A_199 = arith.mulf %get3A_195, %get3A_198 : vector<16xf32>
        %add3A_200 = arith.addf %mul3A_192, %mul3A_199 : vector<16xf32>
        %get3A_201 = arith.index_cast %add3A_186 : i32 to index
        %get3A_202 = arith.constant 32 : index
        %get3A_203 = tpu.vector_load %arg9[%get3A_201, %get3A_202] {strides = array<i32>} : memref<512x64xf32, #tpu.memory_space<vmem>>, vector<16xf32>,
        %get3A_204 = arith.index_cast %add3A_186 : i32 to index
        %get3A_205 = arith.constant 32 : index
        %get3A_206 = tpu.vector_load %arg10[%get3A_204, %get3A_205] {strides = array<i32>} : memref<512x64xf32, #tpu.memory_space<vmem>>, vector<16xf32>,
        %mul3A_207 = arith.mulf %get3A_203, %get3A_206 : vector<16xf32>
        %add3A_208 = arith.addf %add3A_200, %mul3A_207 : vector<16xf32>
        %get3A_209 = arith.index_cast %add3A_186 : i32 to index
        %get3A_210 = arith.constant 48 : index
        %get3A_211 = tpu.vector_load %arg9[%get3A_209, %get3A_210] {strides = array<i32>} : memref<512x64xf32, #tpu.memory_space<vmem>>, vector<16xf32>,
        %get3A_212 = arith.index_cast %add3A_186 : i32 to index
        %get3A_213 = arith.constant 48 : index
        %get3A_214 = tpu.vector_load %arg10[%get3A_212, %get3A_213] {strides = array<i32>} : memref<512x64xf32, #tpu.memory_space<vmem>>, vector<16xf32>,
        %mul3A_215 = arith.mulf %get3A_211, %get3A_214 : vector<16xf32>
        %add3A_216 = arith.addf %add3A_208, %mul3A_215 : vector<16xf32>
        %reduce_sum3A = arith.constant true
        %reduce_sum3A_217 = vector.broadcast %reduce_sum3A : i1 to vector<16xi1>
        %reduce_sum3A_218 = tpu.scan <sum>, %add3A_216 masked %reduce_sum3A_217 : vector<16xf32>, vector<16xi1> -> vector<16xf32>
        %reduce_sum3A_219 = vector.extract %reduce_sum3A_218[15] : f32 from vector<16xf32>
        %eq3A = vector.broadcast %scan3A_184 : i32 to vector<16xi32>
        %eq3A_220 = arith.cmpi eq, %iota3A, %eq3A : vector<16xi32>
        %broadcast_in_dim3A_221 = vector.broadcast %reduce_sum3A_219 : f32 to vector<16xf32>
        %select_n3A = arith.select %eq3A_220, %broadcast_in_dim3A_221, %scan3A_185 : vector<16xi1>, vector<16xf32>
        scf.yield %select_n3A : vector<16xf32>
      }
      %scan3A_181 = arith.constant 16 : i32
      %swap3A = arith.index_cast %multiple_of3A : i32 to index
      %swap3A_182 = tpu.vector_load %arg11[%swap3A] {strides = array<i32>} : memref<512xf32, #tpu.memory_space<vmem>>, vector<16xf32>,
      tpu.vector_store %arg11[%swap3A], %scan3A_180 {strides = array<i32>} : memref<512xf32, #tpu.memory_space<vmem>>, vector<16xf32>,
      %scan3A_183 = arith.constant 0 : i32
      scf.yield %scan3A_183 : i32
    }
    %scan3A_170 = arith.constant 32 : i32
    "tpu.region"() ({
      %run_scoped3A = tpu.sem_alloc : memref<!tpu.dma_semaphore, #tpu.memory_space<semaphore_mem>>
      %dma_start3A_171 = tpu.memref_slice %arg6[%mul3A_2] : memref<16384xf32, #tpu.memory_space<hbm>> -> memref<512xf32, #tpu.memory_space<hbm>>
      %dma_start3A_172 = tpu.memref_slice %arg6[%mul3A_2] : memref<16384xf32, #tpu.memory_space<hbm>> -> memref<512xf32, #tpu.memory_space<hbm>>
      tpu.enqueue_dma source(%arg11 : memref<512xf32, #tpu.memory_space<vmem>>) target(%dma_start3A_172 : memref<512xf32, #tpu.memory_space<hbm>>) target_semaphore(%run_scoped3A : memref<!tpu.dma_semaphore, #tpu.memory_space<semaphore_mem>>)
      %dma_wait3A_173 = tpu.memref_slice %arg6[%mul3A_2] : memref<16384xf32, #tpu.memory_space<hbm>> -> memref<512xf32, #tpu.memory_space<hbm>>
      %dma_wait3A_174 = tpu.memref_slice %arg6[%mul3A_2] : memref<16384xf32, #tpu.memory_space<hbm>> -> memref<512xf32, #tpu.memory_space<hbm>>
      tpu.wait_dma2 semaphore(%run_scoped3A : memref<!tpu.dma_semaphore, #tpu.memory_space<semaphore_mem>>) src(%arg11 : memref<512xf32, #tpu.memory_space<vmem>>) dst(%dma_wait3A_174 : memref<512xf32, #tpu.memory_space<hbm>>)
      tpu.yield
    }) : () -> ()
    return
  }
}

</mosaic_0001>

<sc_bundles>
// kernel: kernel.3.cloned.1.call-start
scs
__scs_entry_jumppad:
0x0: {  	(pc) =	sbr.rel $0x88, $3  }
0x1: {  	(tag) =	ssettag $0x0;
	lr =	simm.s32 $0x1  }
0x2: {  	[smem:$0x3F9D] =	sst lr;
	_ =	strace $0xD0000000  }
0x3: {  	_ = 	snop  }
0x4: {  	_ = 	snop  }
0x5: {  	_ = 	snop  }
0x6: {  	_ = 	snop  }
0x7: {  	_ = 	snop  }
__scs_overlays_trampoline_lowered:
0x8: {  	[smem:$0x3FAC] =	sst s0  }
0x9: {  	[smem:$0x3FAD] =	sst s1  }
0xa: {  	[smem:$0x3FAE] =	sst s2  }
0xb: {  	[smem:$0x3FAF] =	sst s3  }
0xc: {  	[smem:$0x3FB0] =	sst s4  }
0xd: {  	[smem:$0x3FB1] =	sst s5  }
0xe: {  	[smem:$0x3FB2] =	sst s6  }
0xf: {  	[smem:$0x3FB3] =	sst s7  }
0x10: {  	[smem:$0x3FB4] =	sst s8  }
0x11: {  	[smem:$0x3FB5] =	sst s9;
	s0 =	simm.s32 @!p0 $0x0  }
0x12: {  	s1 =	sld [smem:$0x3F9B];
	s0 =	simm.s32 @p0 $0x1  }
0x13: {  	[smem:$0x3FB6] =	sst s0;
	s0 =	simm.s32 @!p1 $0x0  }
0x14: {  	s2 =	sld [smem:$0x3F9A];
	s0 =	simm.s32 @p1 $0x1  }
0x15: {  	[smem:$0x3FB7] =	sst s0;
	s0 =	simm.s32 @!p2 $0x0  }
0x16: {  	s3 =	sld [smem:$0x3FDB];
	s0 =	simm.s32 @p2 $0x1  }
0x17: {  	s4 =	simm.s32 $0x1BF5;
	[smem:$0x3FB9] =	sst s0  }
0x18: {  	s0 =	sld [smem:$0x3F9C];
	_ =	swait.ge [sflag:s4], $0x0  }
0x19: {  	s7 =	sld [smem:$0x3F9D]  }
0x1a: {  	s8 =	sadd.s32 $0xFFFFE003, lr  }
0x1b: {  	s9 =	sadd.s32 $0xFFFFFEF7, lr;
	s5 =	simm.s32 $0xFFFFFFFF;
	p2 =	slt.u32 s8, $0xFFFFF086  }
0x1c: {  	p1 =	slt.u32 s9, $0xF7A;
	s5 =	simm.s32 @!p2 $0x0  }
0x1d: {  	s5 =	simm.s32 @p1 $0x1;
	p0 =	seq.s32 s7, s2  }
0x1e: {  	s7 =	smul.u32 @!p0 $0xF7A, s2;
	p2 =	seq.s32 @!p0 s5, $0x0  }
0x1f: {  	s9 =	smul.u32 $0xF7A, s1;
	s8 =	simm.s32 @!p0 $0x1BF5;
	p2 =	por !p2, p0  }
0x20: {  	[sflag:s8] =	ssyncset.s32 @!p0 $0xFFFFF086;
	s6 =	sadd.s32 @!p0 s3, s7;
	s7 =	simm.s32 @!p0 $0x108  }
0x21: {  	s3 =	sadd.s32 s3, s9;
	s6 =	sadd.s32 @!p0 $0x88, s6;
	s7 =	simm.s32 @p2 $0x1082  }
0x22: {  	[simem:s7], [sflag:s8] =	dma.local @!p0 [hbm:s6], $0xF7A  }
0x23: {  	s9 =	sor.u32 $0xD0000000, s2;
	s6 =	simm.s32 $0x108;
	_ =	swait.ge @!p0 [sflag:s8], $0x0  }
0x24: {  	s3 =	sadd.s32 $0x88, s3;
	s6 =	simm.s32 @!p1 $0x1082;
	[sflag:s4] =	ssyncset.s32 $0xFFFFF086  }
0x25: {  	[simem:s6], [sflag:s4] =	dma.local [hbm:s3], $0xF7A  }
0x26: {  	[smem:$0x3F9D] =	sst s1;
	(tag) =	ssettag s2;
	_ =	strace s9  }
0x27: {  	s1 =	sld [smem:$0x3FAD]  }
0x28: {  	s2 =	sld [smem:$0x3FAE]  }
0x29: {  	s4 =	sld [smem:$0x3FB0]  }
0x2a: {  	p0 =	seq.s32 s5, $0x0;
	s5 =	sld [smem:$0x3FB1]  }
0x2b: {  	s6 =	sld [smem:$0x3FB2]  }
0x2c: {  	s7 =	sld [smem:$0x3FB3]  }
0x2d: {  	s3 =	simm.s32 $0x108;
	s8 =	sld [smem:$0x3FB4]  }
0x2e: {  	s3 =	simm.s32 @!p0 $0x1082;
	s9 =	sld [smem:$0x3FB5]  }
0x2f: {  	lr =	sadd.s32 s0, s3;
	s0 =	sld [smem:$0x3FAC]  }
0x30: {  	s3 =	sld [smem:$0x3FAF]  }
0x31: {  	[smem:$0x3FB8] =	sst s10  }
0x32: {  	s10 =	sld [smem:$0x3FB6];
	_ =	sdelay $0x3  }
0x33: {  	p0 =	seq.s32 s10, $0x1;
	s10 =	sld [smem:$0x3FB8];
	_ =	sdelay $0x3  }
0x34: {  	[smem:$0x3FB8] =	sst s10  }
0x35: {  	s10 =	sld [smem:$0x3FB7];
	_ =	sdelay $0x3  }
0x36: {  	p1 =	seq.s32 s10, $0x1;
	s10 =	sld [smem:$0x3FB8];
	_ =	sdelay $0x3  }
0x37: {  	[smem:$0x3FB8] =	sst s10  }
0x38: {  	s10 =	sld [smem:$0x3FB9]  }
0x39: {  	_ = 	snop;
	(pc) =	sbr.ind lr, $3  }
0x3a: {  	_ = 	snop  }
0x3b: {  	_ = 	snop  }
0x3c: {  	p2 =	seq.s32 s10, $0x1;
	s10 =	sld [smem:$0x3FB8]  }
0x3d: {  	_ =	shalt  }
0x3e: {  	_ =	shalt  }
0x3f: {  	_ =	shalt  }
0x40: {  	_ =	shalt  }
0x41: {  	_ =	shalt  }
0x42: {  	_ =	shalt  }
0x43: {  	_ =	shalt  }
0x44: {  	_ =	shalt  }
0x45: {  	_ =	shalt  }
0x46: {  	_ =	shalt  }
0x47: {  	_ =	shalt  }
0x48: {  	_ =	shalt  }
0x49: {  	_ =	shalt  }
0x4a: {  	_ =	shalt  }
0x4b: {  	_ =	shalt  }
0x4c: {  	_ =	shalt  }
0x4d: {  	_ =	shalt  }
0x4e: {  	_ =	shalt  }
0x4f: {  	_ =	shalt  }
0x50: {  	_ =	shalt  }
0x51: {  	_ =	shalt  }
0x52: {  	_ =	shalt  }
0x53: {  	_ =	shalt  }
0x54: {  	_ =	shalt  }
0x55: {  	_ =	shalt  }
0x56: {  	_ =	shalt  }
0x57: {  	_ =	shalt  }
0x58: {  	_ =	shalt  }
0x59: {  	_ =	shalt  }
0x5a: {  	_ =	shalt  }
0x5b: {  	_ =	shalt  }
0x5c: {  	_ =	shalt  }
0x5d: {  	_ =	shalt  }
0x5e: {  	_ =	shalt  }
0x5f: {  	_ =	shalt  }
0x60: {  	_ =	shalt  }
0x61: {  	_ =	shalt  }
0x62: {  	_ =	shalt  }
0x63: {  	_ =	shalt  }
0x64: {  	_ =	shalt  }
0x65: {  	_ =	shalt  }
0x66: {  	_ =	shalt  }
0x67: {  	_ =	shalt  }
0x68: {  	_ =	shalt  }
0x69: {  	_ =	shalt  }
0x6a: {  	_ =	shalt  }
0x6b: {  	_ =	shalt  }
0x6c: {  	_ =	shalt  }
0x6d: {  	_ =	shalt  }
0x6e: {  	_ =	shalt  }
0x6f: {  	_ =	shalt  }
0x70: {  	_ =	shalt  }
0x71: {  	_ =	shalt  }
0x72: {  	_ =	shalt  }
0x73: {  	_ =	shalt  }
0x74: {  	_ =	shalt  }
0x75: {  	_ =	shalt  }
0x76: {  	_ =	shalt  }
0x77: {  	_ =	shalt  }
0x78: {  	_ =	shalt  }
0x79: {  	_ =	shalt  }
0x7a: {  	_ =	shalt  }
0x7b: {  	_ =	shalt  }
0x7c: {  	_ =	shalt  }
0x7d: {  	_ =	shalt  }
0x7e: {  	_ =	shalt  }
0x7f: {  	_ =	shalt  }
0x80: {  	_ =	shalt  }
0x81: {  	_ =	shalt  }
0x82: {  	_ =	shalt  }
0x83: {  	_ =	shalt  }
0x84: {  	_ =	shalt  }
0x85: {  	_ =	shalt  }
0x86: {  	_ =	shalt  }
0x87: {  	_ =	shalt  }
.Lfunc_end0:
.L_simem_size_0:
called_computation_lowered:
.L_overlay_start_0:
0x88: {  	s2 =	sld [smem:$0x3FD9]  }
0x89: {  	s3 =	sld [smem:$0x3FFE];
	_ =	sdelay $0x1  }
0x8a: {  	s1 =	srdreg.scid  }
0x8b: {  	s0 =	sand.u32 $0x1, s1  }
0x8c: {  	s17 =	sshll.u32 s0, $0xA;
	s2 =	sadd.s32 s3, s2  }
0x8d: {  	s2 =	sadd.s32 s2, s17  }
0x8e: {  	[smem:$0x3FC4] =	sst s2  }
0x8f: {  	_ = 	snop  }
0x90: {  	s2 =	sld [smem:$0x3FC9]  }
0x91: {  	s18 =	sld [smem:$0x3FC8]  }
0x92: {  	s4 =	sld [smem:$0x3FD0];
	(tm) =	ssettm $0x1  }
0x93: {  	s5 =	sld [smem:$0x3FFB];
	_ =	sdelay $0x3  }
0x94: {  	_ =	strace s5  }
0x95: {  	s5 =	sld [smem:$0x3FFC];
	_ =	sdelay $0x3  }
0x96: {  	_ =	strace s5  }
0x97: {  	s5 =	sld [smem:$0x3FFD];
	_ =	sdelay $0x3  }
0x98: {  	_ =	strace s5  }
0x99: {  	_ =	strace $0x8FFFFFFF  }
0x9a: {  	s19 =	sld [smem:$0x3FDB];
	_ =	sdelay $0x1  }
0x9b: {  	s6 =	simm.s32 $_scs_section_size  }
0x9c: {  	s7 =	simm.s32 $_size__tile_overlayer_lowered;
	s8 =	simm.s32 $_tile_overlayer_lowered  }
0x9d: {  	s22 =	simm.s32 $0x1BFF;
	s21 =	sshll.u32 s8, $0x1;
	s5 =	sadd.s32 s6, s19  }
0x9e: {  	s9 =	simm.s32 $0x0;
	s20 =	sshll.u32 s7, $0x1;
	s7 =	sadd.s32 s21, s5  }
0x9f: {  	[timem:s9], [sflag:s22] =	dma.local [hbm:s7], s20  }
0xa0: {  	_ =	swait.ge [sflag:s22], s20  }
0xa1: {  	s6 =	ssub.s32 $0x0, s20;
	[sflag:s22] =	ssyncset.done $0x0  }
0xa2: {  	[sflag:s22] =	ssyncadd.s32 s6;
	_ =	sdelay $0x1  }
0xa3: {  	s23 =	simm.s32 $0x1B8B  }
0xa4: {  	_ =	swait.ge [sflag:s23], $0x1  }
0xa5: {  	[sflag:s23] =	ssyncset.done $0x0  }
0xa6: {  	s25 =	simm.s32 $0x1B8E;
	s24 =	sld [smem:$0x3FFE];
	[sflag:s23] =	ssyncadd.s32 $0xFFFFFFFF  }
0xa7: {  	s26 =	simm.s32 $execute0_lowered;
	[smem:$0x3FD2] =	sst s25  }
0xa8: {  	s7 =	sshll.u32 s26, $0x1;
	_ =	strace $0x80000046;
	[dreg:$0x1] =	wrdreg $0xFFFFFFFF  }
0xa9: {  	s28 =	simm.s32 $_size_execute0_lowered;
	s5 =	sadd.s32 s5, s7;
	[dreg:$0x0] =	wrdreg $0x0  }
0xaa: {  	s7 =	sshll.u32 s28, $0x1;
	[dreg:$0x2] =	wrdreg s5  }
0xab: {  	[dreg:$0x3] =	wrdreg s7  }
0xac: {  	[dreg:$0x4] =	wrdreg $0xC0  }
0xad: {  	_ =	task [dreg:s9], $0x5FFFF  }
0xae: {  	[dreg:$0x1] =	wrdreg $0xFFFFFFFF  }
0xaf: {  	[dreg:$0x0] =	wrdreg $0x60  }
0xb0: {  	[dreg:$0x2] =	wrdreg s2  }
0xb1: {  	[dreg:$0x3] =	wrdreg s18  }
0xb2: {  	[dreg:$0x4] =	wrdreg s24  }
0xb3: {  	[dreg:$0x5] =	wrdreg s4  }
0xb4: {  	[dreg:$0x6] =	wrdreg $0x9  }
0xb5: {  	_ =	task.clear_ibuf [dreg:s9], $0x7FFFF;
	_ =	strace $0x90000046  }
0xb6: {  	s29 =	simm.s32 $0x9;
	_ =	strace $0x80000048  }
0xb7: {  	_ =	swait.ge [sflag:s29], $0x1  }
0xb8: {  	[sflag:s29] =	ssyncadd.s32 $0xFFFFFFFF  }
0xb9: {  	_ =	strace $0x90000048  }
0xba: {  	_ =	sfence  }
0xbb: {  	s30 =	sld [smem:$0x0];
	_ =	sdelay $0x2  }
0xbc: {  	s31 =	sshll.u32 s1, $0xD;
	s1 =	sshrl.u32 s1, $0x2  }
0xbd: {  	s3 =	sand.u32 $0x4000, s31;
	s1 =	sadd.s32 s1, s30  }
0xbe: {  	s0 =	sor.u32 s3, s0;
	s1 =	sshll.u32 s1, $0x11  }
0xbf: {  	s0 =	sor.u32 s1, s0  }
0xc0: {  	s0 =	sadd.s32 $0x8F2B, s0  }
0xc1: {  	[sflag:s0] =	ssyncadd.remote.s32 $0x1  }
0xc2: {  	_ =	sfence.sel $0xFFFF  }
0xc3: {  	[dreg:$0x0] =	wrdreg $0xFFFFFFFF;
	(pc) =	sbr.abs _section_cstart, $3  }
0xc4: {  	[dreg:$0x1] =	wrdreg $0xFFFFFFFF  }
0xc5: {  	_ =	task.clear_ibuf [dreg:s9], $0x2FFFF;
	_ =	strace $0x9FFFFFFF  }
0xc6: {  	(tm) =	ssettm $0x7FFFFFFF  }
0xc7: {  	_ =	shalt  }
tec
execute0_lowered:
.L_overlay_start_1:
0x0: {  	(tag) =	ssettag $0x1  }
0x1: {  	s0 =	rddreg [dreg:$0x0]  }
0x2: {  	s2 =	rddreg [dreg:$0x1]  }
0x3: {  	s4 =	rddreg [dreg:$0x2]  }
0x4: {  	s7 =	rddreg [dreg:$0x3];
	s1 =	simm.s32 $0x0  }
0x5: {  	s5 =	srdreg.scid;
	s8 =	stileid.u32;
	s10 =	simm.s32 $0x200  }
0x6: {  	s11 =	simm.s32 $0x80;
	s18 =	simm.s32 $0x4400;
	s19 =	simm.s32 $0x300  }
0x7: {  	s20 =	simm.s32 $0xC400;
	s21 =	simm.s32 $0x180;
	s22 =	simm.s32 $0x6400  }
0x8: {  	s23 =	simm.s32 $0x380;
	s24 =	simm.s32 $0xE400;
	s25 =	simm.s32 $0x1  }
0x9: {  	s26 =	simm.s32 $0x10400;
	s28 =	simm.s32 $0x0;
	[smem:$0x7FF] =	sst s1  }
0xa: {  	s3 =	sadd.s32 $0x188A00, s4;
	s5 =	sand.u32 $0x1, s5;
	s8 =	sshll.u32 s8, $0x7  }
0xb: {  	s4 =	sadd.s32 $0x24C000, s4;
	s6 =	ssub.s32 $0x2, s5;
	s5 =	sshll.u32 s5, $0x6  }
0xc: {  	_ =	strace $0x80000047;
	s9 =	sshrl.u32 s6, $0x1;
	s8 =	sor.u32 s5, s8  }
0xd: {  	s9 =	ssub.s32 s6, s9;
	s5 =	sadd.s32 s0, s8;
	s6 =	sadd.s32 s2, s8  }
0xe: {  	v0 =	vlaneseq.u32;
	s7 =	sadd.s32 s7, s8;
	s8 =	smax.u32 s9, $0x1;
	s9 =	simm.s32 $0x2  }
.LBB2_1:
0xf: {  	[tilespmem:s1], [sflag:$0x2] =	stream.linear.gather [hbm4b:s5+s1], $0x200, $0x38;
	[tilespmem:$0x10600] =	vst v63  }
0x10: {  	_ =	swait.ge [sflag:s9], $0x200  }
0x11: {  	[sflag:s9] =	ssyncset.done $0x0  }
0x12: {  	[sflag:s9] =	ssyncadd.s32 $0xFFFFFE00  }
0x13: {  	[tilespmem:s10], [sflag:$0x2] =	stream.linear.gather [hbm4b:s6+s1], $0x200, $0x38;
	[tilespmem:$0x10600] =	vst v63  }
0x14: {  	_ =	swait.ge [sflag:s9], $0x200  }
0x15: {  	[sflag:s9] =	ssyncset.done $0x0  }
0x16: {  	s0 =	simm.s32 $0x400;
	[sflag:s9] =	ssyncadd.s32 $0xFFFFFE00  }
0x17: {  	[tilespmem:s0], [sflag:$0x1] =	stream.indirect.gather [hbm4b:s3+s11], $0x40, s1, s11, $0xb8;
	[tilespmem:$0x10600] =	vst v63  }
0x18: {  	s14 =	simm.s32 $0x8400  }
0x19: {  	[tilespmem:s14], [sflag:$0x1] =	stream.indirect.gather [hbm4b:s4+s11], $0x40, s10, s11, $0xb8;
	[tilespmem:$0x10600] =	vst v63  }
0x1a: {  	s15 =	simm.s32 $0x2400  }
0x1b: {  	[tilespmem:s15], [sflag:$0x1] =	stream.indirect.gather [hbm4b:s3+s11], $0x40, s11, s11, $0xb8;
	[tilespmem:$0x10600] =	vst v63  }
0x1c: {  	s16 =	simm.s32 $0x280;
	s2 =	simm.s32 $0xA400  }
0x1d: {  	[tilespmem:s2], [sflag:$0x1] =	stream.indirect.gather [hbm4b:s4+s11], $0x40, s16, s11, $0xb8;
	[tilespmem:$0x10600] =	vst v63  }
0x1e: {  	s17 =	simm.s32 $0x100  }
0x1f: {  	[tilespmem:s18], [sflag:$0x1] =	stream.indirect.gather [hbm4b:s3+s11], $0x40, s17, s11, $0xb8;
	[tilespmem:$0x10600] =	vst v63  }
0x20: {  	_ = 	snop  }
0x21: {  	[tilespmem:s20], [sflag:$0x1] =	stream.indirect.gather [hbm4b:s4+s11], $0x40, s19, s11, $0xb8;
	[tilespmem:$0x10600] =	vst v63  }
0x22: {  	_ = 	snop  }
0x23: {  	[tilespmem:s22], [sflag:$0x1] =	stream.indirect.gather [hbm4b:s3+s11], $0x40, s21, s11, $0xb8;
	[tilespmem:$0x10600] =	vst v63  }
0x24: {  	_ = 	snop  }
0x25: {  	[tilespmem:s24], [sflag:$0x1] =	stream.indirect.gather [hbm4b:s4+s11], $0x40, s23, s11, $0xb8;
	[tilespmem:$0x10600] =	vst v63  }
0x26: {  	_ =	swait.ge [sflag:s25], $0x2000  }
0x27: {  	[sflag:s25] =	ssyncset.done $0x0  }
0x28: {  	[sflag:s25] =	ssyncadd.s32 $0xFFFFE000  }
0x29: {  	_ =	swait.ge [sflag:s25], $0x2000  }
0x2a: {  	[sflag:s25] =	ssyncset.done $0x0  }
0x2b: {  	[sflag:s25] =	ssyncadd.s32 $0xFFFFE000  }
0x2c: {  	_ =	swait.ge [sflag:s25], $0x2000  }
0x2d: {  	[sflag:s25] =	ssyncset.done $0x0  }
0x2e: {  	[sflag:s25] =	ssyncadd.s32 $0xFFFFE000  }
0x2f: {  	_ =	swait.ge [sflag:s25], $0x2000  }
0x30: {  	[sflag:s25] =	ssyncset.done $0x0  }
0x31: {  	[sflag:s25] =	ssyncadd.s32 $0xFFFFE000  }
0x32: {  	_ =	swait.ge [sflag:s25], $0x2000  }
0x33: {  	[sflag:s25] =	ssyncset.done $0x0  }
0x34: {  	[sflag:s25] =	ssyncadd.s32 $0xFFFFE000  }
0x35: {  	_ =	swait.ge [sflag:s25], $0x2000  }
0x36: {  	[sflag:s25] =	ssyncset.done $0x0  }
0x37: {  	[sflag:s25] =	ssyncadd.s32 $0xFFFFE000  }
0x38: {  	_ =	swait.ge [sflag:s25], $0x2000  }
0x39: {  	[sflag:s25] =	ssyncset.done $0x0  }
0x3a: {  	[sflag:s25] =	ssyncadd.s32 $0xFFFFE000  }
0x3b: {  	_ =	swait.ge [sflag:s25], $0x2000  }
0x3c: {  	s29 =	simm.s32 $0x420;
	[sflag:s25] =	ssyncset.done $0x0  }
0x3d: {  	s30 =	simm.s32 $0x8420;
	s31 =	simm.s32 $0x0;
	[sflag:s25] =	ssyncadd.s32 $0xFFFFE000  }
.LBB2_2:
0x3e: {  	v1 =	vld [tilespmem:s29+$0xFFFFFFE0]  }
0x3f: {  	v2 =	vld [tilespmem:s30+$0xFFFFFFE0]  }
0x40: {  	v3 =	vld [tilespmem:s29+$0xFFFFFFF0]  }
0x41: {  	v4 =	vld [tilespmem:s30+$0xFFFFFFF0]  }
0x42: {  	v5 =	vld [tilespmem:s29+$0x0]  }
0x43: {  	v6 =	vld [tilespmem:s30+$0x0]  }
0x44: {  	v7 =	vld [tilespmem:s29+$0x10]  }
0x45: {  	v8 =	vld [tilespmem:s30+$0x10]  }
0x46: {  	v1 =	vmul.f32 v2, v1;
	v2 =	vmul.f32 v4, v3  }
0x47: {  	s0 =	sadd.s32 $0x40, s29  }
0x48: {  	s2 =	sadd.s32 $0x40, s30;
	v9 =	vld [tilespmem:s0+$0xFFFFFFE0];
	v1 =	vadd.f32 v2, v1;
	v2 =	vmul.f32 v6, v5  }
0x49: {  	v3 =	vld [tilespmem:s2+$0xFFFFFFE0]  }
0x4a: {  	v4 =	vld [tilespmem:s0+$0xFFFFFFF0];
	v1 =	vadd.f32 v2, v1;
	v2 =	vmul.f32 v8, v7  }
0x4b: {  	v5 =	vld [tilespmem:s2+$0xFFFFFFF0]  }
0x4c: {  	v6 =	vld [tilespmem:s0+$0x0];
	v1 =	vadd.f32 v2, v1  }
0x4d: {  	v7 =	vld [tilespmem:s2+$0x0]  }
0x4e: {  	v10 =	vld [tilespmem:s2+$0x10];
	(xrf2) =	vadd.scan.msk.f32 $0xffff, v1  }
0x4f: {  	v8 =	vld [tilespmem:s0+$0x10];
	s0 =	sadd.s32 $0x40, s0  }
0x50: {  	v11 =	vld [tilespmem:s0+$0xFFFFFFE0];
	v2 =	vmul.f32 v3, v9;
	v3 =	vmul.f32 v5, v4  }
0x51: {  	s2 =	sadd.s32 $0x40, s2;
	v12 =	vld [tilespmem:s0+$0xFFFFFFF0]  }
0x52: {  	v5 =	vld [tilespmem:s2+$0xFFFFFFF0];
	v3 =	vadd.f32 v3, v2;
	v4 =	vmul.f32 v7, v6  }
0x53: {  	v1 =	vld [tilespmem:s2+$0xFFFFFFE0]  }
0x54: {  	v13 =	vld [tilespmem:s0+$0x0];
	v8 =	vmul.f32 v10, v8;
	v6 =	vadd.f32 v4, v3  }
0x55: {  	v7 =	vld [tilespmem:s2+$0x0]  }
0x56: {  	v2 =	vld [tilespmem:s0+$0x10];
	v8 =	vadd.f32 v8, v6  }
0x57: {  	s14 =	sadd.s32 $0x40, s0;
	v4 =	vld [tilespmem:s2+$0x10]  }
0x58: {  	s15 =	sadd.s32 $0x40, s2;
	v3 =	vld [tilespmem:s14+$0xFFFFFFE0];
	v10 =	vmul.f32 v5, v12;
	v9 =	vmul.f32 v1, v11;
	v63, _, _ =	vpop (xrf2);
	(xrf2) =	vadd.scan.msk.f32 $0xffff, v8  }
0x59: {  	v5 =	vld [tilespmem:s15+$0xFFFFFFE0]  }
0x5a: {  	s17 =	simm.s32 $0x0;
	s13 =	simm.s32 $0x1;
	s12 =	simm.s32 $0x2;
	v6 =	vld [tilespmem:s14+$0xFFFFFFF0];
	v11 =	vmul.f32 v7, v13;
	v9 =	vadd.f32 v10, v9  }
0x5b: {  	s16 =	simm.s32 $0x4;
	s0 =	sshll.u32 s31, $0x4;
	s2 =	simm.s32 $0x3;
	v1 =	vimm.f32 $0.0e+00;
	v7 =	vld [tilespmem:s15+$0xFFFFFFF0];
	v10 =	vmov s17;
	v8 =	vbroadcast v63, $0xF  }
.LBB2_3:
0x5c: {  	p0 =	sne.s32 s16, $0xF;
	v12 =	vld [tilespmem:s14+$0x0];
	v9 =	vadd.f32 v11, v9;
	v4 =	vmul.f32 v4, v2;
	vm0 =	veq.s32 v10, v0;
	s17 =	smov.u32 s2;
	s2 =	smov.u32 s16  }
0x5d: {  	v10 =	vld [tilespmem:s15+$0x0];
	v1 =	vsel vm0, v8, v1  }
0x5e: {  	v2 =	vld [tilespmem:s14+$0x10];
	v8 =	vadd.f32 v4, v9  }
.Ltmp0:
0x5f: {  	s14 =	sadd.s32 $0x40, s14;
	v4 =	vld [tilespmem:s15+$0x10];
	(pc) =	sbr.rel @p0 .LBB2_3-.Ltmp0, $4  }
0x60: {  	v9 =	vmul.f32 v5, v3;
	s15 =	sadd.s32 $0x40, s15;
	v3 =	vld [tilespmem:s14+$0xFFFFFFE0];
	v7 =	vmul.f32 v7, v6;
	(xrf2) =	vadd.scan.msk.f32 $0xffff, v8  }
0x61: {  	v5 =	vld [tilespmem:s15+$0xFFFFFFE0]  }
0x62: {  	v6 =	vld [tilespmem:s14+$0xFFFFFFF0];
	v9 =	vadd.f32 v7, v9;
	v11 =	vmul.f32 v10, v12;
	v8, _, _ =	vpop (xrf2)  }
0x63: {  	s16 =	sadd.s32 $0x1, s16;
	v10 =	vmov s13;
	s13 =	smov.u32 s12;
	s12 =	smov.u32 s17;
	v7 =	vld [tilespmem:s15+$0xFFFFFFF0];
	v8 =	vbroadcast v8, $0xF  }
0x64: {  	v12 =	vld [tilespmem:s14+$0x0]  }
0x65: {  	v13 =	vld [tilespmem:s15+$0x0]  }
0x66: {  	v14 =	vld [tilespmem:s14+$0x10]  }
0x67: {  	v15 =	vld [tilespmem:s15+$0x10]  }
0x68: {  	v3 =	vmul.f32 v5, v3;
	v59 =	vmul.f32 v7, v6;
	_ =	sdelay $0x1  }
0x69: {  	v60 =	vmul.f32 v13, v12;
	v3 =	vadd.f32 v59, v3  }
0x6a: {  	v61 =	vadd.f32 v11, v9;
	v2 =	vmul.f32 v4, v2  }
0x6b: {  	v62 =	vmul.f32 v15, v14;
	v3 =	vadd.f32 v60, v3  }
0x6c: {  	v2 =	vadd.f32 v2, v61  }
0x6d: {  	v3 =	vadd.f32 v62, v3  }
0x6e: {  	(xrf2) =	vadd.scan.msk.f32 $0xffff, v2  }
0x6f: {  	(xrf2) =	vadd.scan.msk.f32 $0xffff, v3;
	_ =	sdelay $0x5  }
0x70: {  	v3 =	vmov s13  }
0x71: {  	v2, _, _ =	vpop (xrf2)  }
0x72: {  	vm0 =	veq.s32 v10, v0;
	s31 =	sadd.s32 $0x1, s31;
	v2 =	vbroadcast v2, $0xF  }
0x73: {  	v1 =	vsel vm0, v8, v1;
	p0 =	sne.s32 s31, $0x20;
	vm13 =	veq.s32 v3, v0;
	v3, _, _ =	vpop (xrf2)  }
.Ltmp1:
0x74: {  	v1 =	vsel vm13, v2, v1;
	v2 =	vmov s12;
	v3 =	vbroadcast v3, $0xF;
	v63, _, _ =	vpop (xrf2);
	(pc) =	sbr.rel @p0 .LBB2_2-.Ltmp1, $4  }
0x75: {  	vm14 =	veq.s32 v2, v0;
	v2 =	vmov s2;
	v4 =	vbroadcast v63, $0xF  }
0x76: {  	vm15 =	veq.s32 v2, v0;
	v1 =	vsel vm14, v3, v1  }
0x77: {  	v1 =	vsel vm15, v4, v1  }
0x78: {  	s29 =	sadd.s32 $0x400, s29;
	s30 =	sadd.s32 $0x400, s30;
	[tilespmem:s0+$0x10400] =	vst v1  }
0x79: {  	s28 =	sadd.s32 $0x1, s28  }
0x7a: {  	p0 =	sne.s32 s28, s8  }
.Ltmp2:
0x7b: {  	_ = 	snop;
	(pc) =	sbr.rel @p0 .LBB2_1-.Ltmp2, $4  }
0x7c: {  	[hbm4b:s7+s1] =	stream.linear.scatter [tilespmem:s26], [sflag:$0x2], $0x200, $0x38;
	[tilespmem:$0x10600] =	vst v63  }
0x7d: {  	_ =	swait.ge [sflag:s9], $0x200  }
0x7e: {  	[sflag:s9] =	ssyncset.done $0x0  }
0x7f: {  	[sflag:s9] =	ssyncadd.s32 $0xFFFFFE00  }
0x80: {  	_ =	sfence.sel $0x180000  }
0x81: {  	[bflag:$0x0] =	sbarrier.arrive $0xFFFF  }
0x82: {  	_ =	strace $0x90000047  }
0x83: {  	s0 =	stileid.u32;
	[bflag:$0x2] =	sbarrier.arrive $0xFFFF  }
0x84: {  	p0 =	sne.s32 s0, $0x0;
	s0 =	rddreg [dreg:$0x4]  }
0x85: {  	s0 =	sadd.s32 @!p0 $0x100000, s0  }
0x86: {  	[sflag:s0] =	ssyncadd.tile.s32 @!p0 $0x1;
	_ =	shalt  }
.Lfunc_end2:
_tile_overlayer_lowered:
.L_overlay_start_2:
0x87: {  	(tag) =	ssettag $0x2  }
0x88: {  	s0 =	rddreg [dreg:$0x0];
	s2 =	stileid.u32  }
0x89: {  	s1 =	rddreg [dreg:$0x1];
	p0 =	sne.s32 s2, $0x0  }
0x8a: {  	s3 =	rddreg [dreg:$0x2];
	[bflag:$0x3] =	sbarrier.arrive $0xFFFF;
	s2 =	simm.s32 @!p0 $0x1C02  }
0x8b: {  	[timem:s3], [sflag:s2] =	dma.local @!p0 [hbm:s0], s1  }
0x8c: {  	s0 =	simm.s32 @!p0 $0x2  }
0x8d: {  	_ =	swait.ge @!p0 [sflag:s0], s1  }
0x8e: {  	s1 =	ssub.s32 @!p0 $0x0, s1;
	[sflag:s0] =	ssyncset.done @!p0 $0x0  }
0x8f: {  	[sflag:s0] =	ssyncadd.s32 @!p0 s1  }
0x90: {  	[bflag:$0x3] =	sbarrier.arrive $0xFFFF  }
0x91: {  	_ =	shalt  }

</sc_bundles>
